<compile_context>
chip_gen: v7x
topology: tpu7x:2x2x1
jax: 0.10.2.dev20260603
libtpu: 0.0.44.dev20260713+nightly
codegen_flags: <defaults>
</compile_context>

<pallas_src>
import jax
import jax.numpy as jnp
from jax import lax
from jax.experimental import pallas as pl
from jax.experimental.pallas import tpu as pltpu
from jax.experimental.pallas import tpu_sc as plsc

_NSRC = 32
_NY = 1024
_NX = 2048
_L = 16


def _sc_body(yref, y_hbm, x_hbm, xs_hbm, dt_hbm, yv, xv, xs, dtv, tile, sem):
    cid = lax.axis_index("c")
    sid = lax.axis_index("s")
    wid = sid * 2 + cid

    pltpu.async_copy(y_hbm, yv, sem)
    pltpu.async_copy(x_hbm, xv, sem)
    pltpu.async_copy(xs_hbm, xs, sem)
    pltpu.async_copy(dt_hbm, dtv, sem)
    pltpu.make_async_copy(y_hbm, yv, sem).wait()
    pltpu.make_async_copy(x_hbm, xv, sem).wait()
    pltpu.make_async_copy(xs_hbm, xs, sem).wait()
    pltpu.make_async_copy(dt_hbm, dtv, sem).wait()

    lanes = lax.iota(jnp.int32, _L)
    zero = jnp.zeros((_L,), jnp.int32)
    yi = jnp.int32(0)
    xi = jnp.int32(0)
    for c in range(_NSRC // _L):
        m = (lanes + c * _L) == wid
        yi = yi + jnp.sum(jnp.where(m, yv[pl.ds(c * _L, _L)], zero))
        xi = xi + jnp.sum(jnp.where(m, xv[pl.ds(c * _L, _L)], zero))
    zidx = jnp.zeros((_L,), jnp.int32)
    upd = plsc.load_gather(xs, [zidx]) * plsc.load_gather(dtv, [zidx])

    row0 = wid * _NY + (yi >> 3) * 8
    col0 = (xi >> 7) * 128
    ry = yi & 7
    c0 = (xi & 127) & ~15
    lane = xi & 15

    pltpu.async_copy(yref.at[pl.ds(row0, 8), pl.ds(col0, 128)], tile, sem).wait()
    sel = lanes == lane
    delta = jnp.where(sel, upd, jnp.float32(0.0))
    tile[ry, pl.ds(c0, _L)] = tile[ry, pl.ds(c0, _L)] + delta
    pltpu.async_copy(tile, yref.at[pl.ds(row0, 8), pl.ds(col0, 128)], sem).wait()


_scatter_add = pl.kernel(
    _sc_body,
    out_type=(),
    mesh=plsc.VectorSubcoreMesh(core_axis_name="c", subcore_axis_name="s"),
    scratch_types=[
        pltpu.VMEM((_NSRC,), jnp.int32),
        pltpu.VMEM((_NSRC,), jnp.int32),
        pltpu.VMEM((1,), jnp.float32),
        pltpu.VMEM((1,), jnp.float32),
        pltpu.VMEM((8, 128), jnp.float32),
        pltpu.SemaphoreType.DMA,
    ],
    compiler_params=pltpu.CompilerParams(
        use_tc_tiling_on_sc=True,
        needs_layout_passes=False,
        skip_device_barrier=True,
        disable_semaphore_checks=True,
    ),
)


def kernel(Y, X, y, x, dt=1.0):
    yref = jax.new_ref(Y.reshape(_NSRC * _NY, _NX))
    _scatter_add(
        yref,
        y.astype(jnp.int32),
        x.astype(jnp.int32),
        X.astype(jnp.float32),
        jnp.asarray(dt, jnp.float32).reshape(1),
    )
    return jax.freeze(yref).reshape(_NSRC, _NY, _NX)

# --- scband reference (transcript-rebuilt; emitter-appended) ---
"""Pipeline reference for scband-wave-source-910533066951 (READ-ONLY COPY).

The authoritative reference and input builder live on the scoring server;
editing this copy changes nothing except your own understanding.
"""

import jax, jax.numpy as jnp
import numpy as np

NSRC = 32
NY = 1024
NX = 2048


def setup_inputs(seed: int = 0) -> dict:
    key = jax.random.key(seed)
    k1, k2 = jax.random.split(key)
    Y = jax.random.normal(k1, (NSRC, NY, NX), dtype=jnp.float32)
    X = jax.random.normal(k2, (1,), dtype=jnp.float32)
    # coordinate buffers registered in __init__ (int64 buffers y, x)
    y = (50 + 30 * jnp.arange(NSRC)).astype(jnp.int32)
    x = (64 + 60 * jnp.arange(NSRC)).astype(jnp.int32)
    dt = jnp.asarray(1.0, dtype=jnp.float32)
    return {"Y": Y, "X": X, "y": y, "x": x, "dt": dt}


def reference(Y, X, y, x, dt=1.0):
    # WaveSource.forward2d with source_encoding=False (default):
    #   for idx in range(nsrc):
    #       Y_new[idx, y[idx], x[idx]] += dt * X
    # Equivalent vectorized per-shot point scatter-add.
    n = y.shape[0]
    batch = jnp.arange(n)
    upd = jnp.broadcast_to(dt * X, (n,)).astype(Y.dtype)
    Y_new = Y.at[batch, y, x].add(upd)
    return Y_new

if __name__ == "__main__":
    import jax
    _d = setup_inputs()
    print(jax.jit(kernel)(*tuple(_d.values())))

</pallas_src>

<mosaic_0001>
#map = affine_map<(d0, d1) -> (0, 0)>
#map1 = affine_map<(d0, d1) -> (0)>
module attributes {stable_mosaic.version = 14 : i64} {
  func.func @new_body(%arg0: i32, %arg1: i32, %arg2: memref<32768x2048xf32, #tpu.memory_space<hbm>>, %arg3: memref<32xi32, #tpu.memory_space<hbm>>, %arg4: memref<32xi32, #tpu.memory_space<hbm>>, %arg5: memref<1xf32, #tpu.memory_space<hbm>>, %arg6: memref<1xf32, #tpu.memory_space<hbm>>, %arg7: memref<32768x2048xf32, #tpu.memory_space<hbm>>, %arg8: memref<32xi32, #tpu.memory_space<vmem>>, %arg9: memref<32xi32, #tpu.memory_space<vmem>>, %arg10: memref<1xf32, #tpu.memory_space<vmem>>, %arg11: memref<1xf32, #tpu.memory_space<vmem>>, %arg12: memref<8x128xf32, #tpu.memory_space<vmem>>, %arg13: memref<!tpu.dma_semaphore, #tpu.memory_space<semaphore_mem>>) attributes {dimension_semantics = [#tpu.dimension_semantics<core_parallel>, #tpu.dimension_semantics<subcore_parallel>], iteration_bounds = array<i64: 2, 16>, scalar_prefetch = 0 : i64, scratch_operands = 6 : i64, tpu.core_type = #tpu.core_type<sc_vector_subcore>, window_params = [{transform_indices = #map}, {transform_indices = #map1}, {transform_indices = #map1}, {transform_indices = #map1}, {transform_indices = #map1}, {transform_indices = #map}]} {
    %mul3A = arith.constant 2 : i32
    %mul3A_0 = arith.muli %arg1, %mul3A : i32
    %add3A = arith.addi %mul3A_0, %arg0 : i32
    tpu.enqueue_dma source(%arg3 : memref<32xi32, #tpu.memory_space<hbm>>) target(%arg8 : memref<32xi32, #tpu.memory_space<vmem>>) target_semaphore(%arg13 : memref<!tpu.dma_semaphore, #tpu.memory_space<semaphore_mem>>)
    tpu.enqueue_dma source(%arg4 : memref<32xi32, #tpu.memory_space<hbm>>) target(%arg9 : memref<32xi32, #tpu.memory_space<vmem>>) target_semaphore(%arg13 : memref<!tpu.dma_semaphore, #tpu.memory_space<semaphore_mem>>)
    tpu.enqueue_dma source(%arg5 : memref<1xf32, #tpu.memory_space<hbm>>) target(%arg10 : memref<1xf32, #tpu.memory_space<vmem>>) target_semaphore(%arg13 : memref<!tpu.dma_semaphore, #tpu.memory_space<semaphore_mem>>)
    tpu.enqueue_dma source(%arg6 : memref<1xf32, #tpu.memory_space<hbm>>) target(%arg11 : memref<1xf32, #tpu.memory_space<vmem>>) target_semaphore(%arg13 : memref<!tpu.dma_semaphore, #tpu.memory_space<semaphore_mem>>)
    tpu.wait_dma2 semaphore(%arg13 : memref<!tpu.dma_semaphore, #tpu.memory_space<semaphore_mem>>) src(%arg3 : memref<32xi32, #tpu.memory_space<hbm>>) dst(%arg8 : memref<32xi32, #tpu.memory_space<vmem>>)
    tpu.wait_dma2 semaphore(%arg13 : memref<!tpu.dma_semaphore, #tpu.memory_space<semaphore_mem>>) src(%arg4 : memref<32xi32, #tpu.memory_space<hbm>>) dst(%arg9 : memref<32xi32, #tpu.memory_space<vmem>>)
    tpu.wait_dma2 semaphore(%arg13 : memref<!tpu.dma_semaphore, #tpu.memory_space<semaphore_mem>>) src(%arg5 : memref<1xf32, #tpu.memory_space<hbm>>) dst(%arg10 : memref<1xf32, #tpu.memory_space<vmem>>)
    tpu.wait_dma2 semaphore(%arg13 : memref<!tpu.dma_semaphore, #tpu.memory_space<semaphore_mem>>) src(%arg6 : memref<1xf32, #tpu.memory_space<hbm>>) dst(%arg11 : memref<1xf32, #tpu.memory_space<vmem>>)
    %iota3A = tpu.iota {dimensions = array<i32: 0>} : vector<16xi32>
    %broadcast_in_dim3A = arith.constant 0 : i32
    %broadcast_in_dim3A_1 = vector.broadcast %broadcast_in_dim3A : i32 to vector<16xi32>
    %add3A_2 = arith.constant 0 : i32
    %add3A_3 = vector.broadcast %add3A_2 : i32 to vector<16xi32>
    %add3A_4 = arith.addi %iota3A, %add3A_3 : vector<16xi32>
    %eq3A = vector.broadcast %add3A : i32 to vector<16xi32>
    %eq3A_5 = arith.cmpi eq, %add3A_4, %eq3A : vector<16xi32>
    %get3A = arith.constant 0 : index
    %get3A_6 = tpu.vector_load %arg8[%get3A] {strides = array<i32>} : memref<32xi32, #tpu.memory_space<vmem>>, vector<16xi32>,
    %select_n3A = arith.select %eq3A_5, %get3A_6, %broadcast_in_dim3A_1 : vector<16xi1>, vector<16xi32>
    %reduce_sum3A = arith.constant true
    %reduce_sum3A_7 = vector.broadcast %reduce_sum3A : i1 to vector<16xi1>
    %reduce_sum3A_8 = tpu.scan <sum>, %select_n3A masked %reduce_sum3A_7 : vector<16xi32>, vector<16xi1> -> vector<16xi32>
    %reduce_sum3A_9 = vector.extract %reduce_sum3A_8[15] : i32 from vector<16xi32>
    %add3A_10 = arith.constant 0 : i32
    %add3A_11 = arith.addi %add3A_10, %reduce_sum3A_9 : i32
    %get3A_12 = arith.constant 0 : index
    %get3A_13 = tpu.vector_load %arg9[%get3A_12] {strides = array<i32>} : memref<32xi32, #tpu.memory_space<vmem>>, vector<16xi32>,
    %select_n3A_14 = arith.select %eq3A_5, %get3A_13, %broadcast_in_dim3A_1 : vector<16xi1>, vector<16xi32>
    %reduce_sum3A_15 = arith.constant true
    %reduce_sum3A_16 = vector.broadcast %reduce_sum3A_15 : i1 to vector<16xi1>
    %reduce_sum3A_17 = tpu.scan <sum>, %select_n3A_14 masked %reduce_sum3A_16 : vector<16xi32>, vector<16xi1> -> vector<16xi32>
    %reduce_sum3A_18 = vector.extract %reduce_sum3A_17[15] : i32 from vector<16xi32>
    %add3A_19 = arith.constant 0 : i32
    %add3A_20 = arith.addi %add3A_19, %reduce_sum3A_18 : i32
    %add3A_21 = arith.constant 16 : i32
    %add3A_22 = vector.broadcast %add3A_21 : i32 to vector<16xi32>
    %add3A_23 = arith.addi %iota3A, %add3A_22 : vector<16xi32>
    %eq3A_24 = vector.broadcast %add3A : i32 to vector<16xi32>
    %eq3A_25 = arith.cmpi eq, %add3A_23, %eq3A_24 : vector<16xi32>
    %get3A_26 = arith.constant 16 : index
    %get3A_27 = tpu.vector_load %arg8[%get3A_26] {strides = array<i32>} : memref<32xi32, #tpu.memory_space<vmem>>, vector<16xi32>,
    %select_n3A_28 = arith.select %eq3A_25, %get3A_27, %broadcast_in_dim3A_1 : vector<16xi1>, vector<16xi32>
    %reduce_sum3A_29 = arith.constant true
    %reduce_sum3A_30 = vector.broadcast %reduce_sum3A_29 : i1 to vector<16xi1>
    %reduce_sum3A_31 = tpu.scan <sum>, %select_n3A_28 masked %reduce_sum3A_30 : vector<16xi32>, vector<16xi1> -> vector<16xi32>
    %reduce_sum3A_32 = vector.extract %reduce_sum3A_31[15] : i32 from vector<16xi32>
    %add3A_33 = arith.addi %add3A_11, %reduce_sum3A_32 : i32
    %get3A_34 = arith.constant 16 : index
    %get3A_35 = tpu.vector_load %arg9[%get3A_34] {strides = array<i32>} : memref<32xi32, #tpu.memory_space<vmem>>, vector<16xi32>,
    %select_n3A_36 = arith.select %eq3A_25, %get3A_35, %broadcast_in_dim3A_1 : vector<16xi1>, vector<16xi32>
    %reduce_sum3A_37 = arith.constant true
    %reduce_sum3A_38 = vector.broadcast %reduce_sum3A_37 : i1 to vector<16xi1>
    %reduce_sum3A_39 = tpu.scan <sum>, %select_n3A_36 masked %reduce_sum3A_38 : vector<16xi32>, vector<16xi1> -> vector<16xi32>
    %reduce_sum3A_40 = vector.extract %reduce_sum3A_39[15] : i32 from vector<16xi32>
    %add3A_41 = arith.addi %add3A_20, %reduce_sum3A_40 : i32
    %broadcast_in_dim3A_42 = arith.constant 0 : i32
    %broadcast_in_dim3A_43 = vector.broadcast %broadcast_in_dim3A_42 : i32 to vector<16xi32>
    %gather3A = tpu.vector_load_idx %arg10[%broadcast_in_dim3A_43] : memref<1xf32, #tpu.memory_space<vmem>>[vector<16xi32>], vector<16xf32>,
    %gather3A_44 = tpu.vector_load_idx %arg11[%broadcast_in_dim3A_43] : memref<1xf32, #tpu.memory_space<vmem>>[vector<16xi32>], vector<16xf32>,
    %mul3A_45 = arith.mulf %gather3A, %gather3A_44 : vector<16xf32>
    %mul3A_46 = arith.constant 1024 : i32
    %mul3A_47 = arith.muli %add3A, %mul3A_46 : i32
    %shift_right_arithmetic3A = arith.constant 3 : i32
    %shift_right_arithmetic3A_48 = arith.shrsi %add3A_33, %shift_right_arithmetic3A : i32
    %mul3A_49 = arith.constant 8 : i32
    %mul3A_50 = arith.muli %shift_right_arithmetic3A_48, %mul3A_49 : i32
    %add3A_51 = arith.addi %mul3A_47, %mul3A_50 : i32
    %shift_right_arithmetic3A_52 = arith.constant 7 : i32
    %shift_right_arithmetic3A_53 = arith.shrsi %add3A_41, %shift_right_arithmetic3A_52 : i32
    %mul3A_54 = arith.constant 128 : i32
    %mul3A_55 = arith.muli %shift_right_arithmetic3A_53, %mul3A_54 : i32
    %and3A = arith.constant 7 : i32
    %and3A_56 = arith.andi %add3A_33, %and3A : i32
    %and3A_57 = arith.constant 127 : i32
    %and3A_58 = arith.andi %add3A_41, %and3A_57 : i32
    %and3A_59 = arith.constant -16 : i32
    %and3A_60 = arith.andi %and3A_58, %and3A_59 : i32
    %and3A_61 = arith.constant 15 : i32
    %and3A_62 = arith.andi %add3A_41, %and3A_61 : i32
    %dma_start3A = tpu.memref_slice %arg2[%add3A_51, %mul3A_55] : memref<32768x2048xf32, #tpu.memory_space<hbm>> -> memref<8x128xf32, #tpu.memory_space<hbm>>
    %dma_start3A_63 = tpu.memref_slice %arg2[%add3A_51, %mul3A_55] : memref<32768x2048xf32, #tpu.memory_space<hbm>> -> memref<8x128xf32, #tpu.memory_space<hbm>>
    tpu.enqueue_dma source(%dma_start3A_63 : memref<8x128xf32, #tpu.memory_space<hbm>>) target(%arg12 : memref<8x128xf32, #tpu.memory_space<vmem>>) target_semaphore(%arg13 : memref<!tpu.dma_semaphore, #tpu.memory_space<semaphore_mem>>)
    %dma_wait3A = tpu.memref_slice %arg2[%add3A_51, %mul3A_55] : memref<32768x2048xf32, #tpu.memory_space<hbm>> -> memref<8x128xf32, #tpu.memory_space<hbm>>
    %dma_wait3A_64 = tpu.memref_slice %arg2[%add3A_51, %mul3A_55] : memref<32768x2048xf32, #tpu.memory_space<hbm>> -> memref<8x128xf32, #tpu.memory_space<hbm>>
    tpu.wait_dma2 semaphore(%arg13 : memref<!tpu.dma_semaphore, #tpu.memory_space<semaphore_mem>>) src(%dma_wait3A_64 : memref<8x128xf32, #tpu.memory_space<hbm>>) dst(%arg12 : memref<8x128xf32, #tpu.memory_space<vmem>>)
    %eq3A_65 = vector.broadcast %and3A_62 : i32 to vector<16xi32>
    %eq3A_66 = arith.cmpi eq, %iota3A, %eq3A_65 : vector<16xi32>
    %jit3A = arith.constant 0.000000e+00 : f32
    %broadcast_in_dim3A_67 = vector.broadcast %jit3A : f32 to vector<16xf32>
    %select_n3A_68 = arith.select %eq3A_66, %mul3A_45, %broadcast_in_dim3A_67 : vector<16xi1>, vector<16xf32>
    %get3A_69 = arith.index_cast %and3A_56 : i32 to index
    %get3A_70 = arith.index_cast %and3A_60 : i32 to index
    %get3A_71 = tpu.vector_load %arg12[%get3A_69, %get3A_70] {strides = array<i32>} : memref<8x128xf32, #tpu.memory_space<vmem>>, vector<16xf32>,
    %add3A_72 = arith.addf %get3A_71, %select_n3A_68 : vector<16xf32>
    %swap3A = arith.index_cast %and3A_56 : i32 to index
    %swap3A_73 = arith.index_cast %and3A_60 : i32 to index
    %swap3A_74 = tpu.vector_load %arg12[%swap3A, %swap3A_73] {strides = array<i32>} : memref<8x128xf32, #tpu.memory_space<vmem>>, vector<16xf32>,
    tpu.vector_store %arg12[%swap3A, %swap3A_73], %add3A_72 {strides = array<i32>} : memref<8x128xf32, #tpu.memory_space<vmem>>, vector<16xf32>,
    %dma_start3A_75 = tpu.memref_slice %arg2[%add3A_51, %mul3A_55] : memref<32768x2048xf32, #tpu.memory_space<hbm>> -> memref<8x128xf32, #tpu.memory_space<hbm>>
    %dma_start3A_76 = tpu.memref_slice %arg2[%add3A_51, %mul3A_55] : memref<32768x2048xf32, #tpu.memory_space<hbm>> -> memref<8x128xf32, #tpu.memory_space<hbm>>
    tpu.enqueue_dma source(%arg12 : memref<8x128xf32, #tpu.memory_space<vmem>>) target(%dma_start3A_76 : memref<8x128xf32, #tpu.memory_space<hbm>>) target_semaphore(%arg13 : memref<!tpu.dma_semaphore, #tpu.memory_space<semaphore_mem>>)
    %dma_wait3A_77 = tpu.memref_slice %arg2[%add3A_51, %mul3A_55] : memref<32768x2048xf32, #tpu.memory_space<hbm>> -> memref<8x128xf32, #tpu.memory_space<hbm>>
    %dma_wait3A_78 = tpu.memref_slice %arg2[%add3A_51, %mul3A_55] : memref<32768x2048xf32, #tpu.memory_space<hbm>> -> memref<8x128xf32, #tpu.memory_space<hbm>>
    tpu.wait_dma2 semaphore(%arg13 : memref<!tpu.dma_semaphore, #tpu.memory_space<semaphore_mem>>) src(%arg12 : memref<8x128xf32, #tpu.memory_space<vmem>>) dst(%dma_wait3A_78 : memref<8x128xf32, #tpu.memory_space<hbm>>)
    return
  }
}

</mosaic_0001>

<sc_bundles>
// kernel: kernel.3.cloned.1.call-start
scs
__scs_entry_jumppad:
0x0: {  	(pc) =	sbr.rel $0x88, $3  }
0x1: {  	(tag) =	ssettag $0x0;
	lr =	simm.s32 $0x1  }
0x2: {  	[smem:$0x3F9C] =	sst lr;
	_ =	strace $0xD0000000  }
0x3: {  	_ = 	snop  }
0x4: {  	_ = 	snop  }
0x5: {  	_ = 	snop  }
0x6: {  	_ = 	snop  }
0x7: {  	_ = 	snop  }
__scs_overlays_trampoline_lowered:
0x8: {  	[smem:$0x3FAB] =	sst s0  }
0x9: {  	[smem:$0x3FAC] =	sst s1  }
0xa: {  	[smem:$0x3FAD] =	sst s2  }
0xb: {  	[smem:$0x3FAE] =	sst s3  }
0xc: {  	[smem:$0x3FAF] =	sst s4  }
0xd: {  	[smem:$0x3FB0] =	sst s5  }
0xe: {  	[smem:$0x3FB1] =	sst s6  }
0xf: {  	[smem:$0x3FB2] =	sst s7  }
0x10: {  	[smem:$0x3FB3] =	sst s8  }
0x11: {  	[smem:$0x3FB4] =	sst s9;
	s0 =	simm.s32 @!p0 $0x0  }
0x12: {  	s1 =	sld [smem:$0x3F9A];
	s0 =	simm.s32 @p0 $0x1  }
0x13: {  	[smem:$0x3FB5] =	sst s0;
	s0 =	simm.s32 @!p1 $0x0  }
0x14: {  	s2 =	sld [smem:$0x3F99];
	s0 =	simm.s32 @p1 $0x1  }
0x15: {  	[smem:$0x3FB6] =	sst s0;
	s0 =	simm.s32 @!p2 $0x0  }
0x16: {  	s3 =	sld [smem:$0x3FDB];
	s0 =	simm.s32 @p2 $0x1  }
0x17: {  	s4 =	simm.s32 $0x1BF5;
	[smem:$0x3FB8] =	sst s0  }
0x18: {  	s0 =	sld [smem:$0x3F9B];
	_ =	swait.ge [sflag:s4], $0x0  }
0x19: {  	s7 =	sld [smem:$0x3F9C]  }
0x1a: {  	s8 =	sadd.s32 $0xFFFFE003, lr  }
0x1b: {  	s9 =	sadd.s32 $0xFFFFFEF7, lr;
	s5 =	simm.s32 $0xFFFFFFFF;
	p2 =	slt.u32 s8, $0xFFFFF086  }
0x1c: {  	p1 =	slt.u32 s9, $0xF7A;
	s5 =	simm.s32 @!p2 $0x0  }
0x1d: {  	s5 =	simm.s32 @p1 $0x1;
	p0 =	seq.s32 s7, s2  }
0x1e: {  	s7 =	smul.u32 @!p0 $0xF7A, s2;
	p2 =	seq.s32 @!p0 s5, $0x0  }
0x1f: {  	s9 =	smul.u32 $0xF7A, s1;
	s8 =	simm.s32 @!p0 $0x1BF5;
	p2 =	por !p2, p0  }
0x20: {  	[sflag:s8] =	ssyncset.s32 @!p0 $0xFFFFF086;
	s6 =	sadd.s32 @!p0 s3, s7;
	s7 =	simm.s32 @!p0 $0x108  }
0x21: {  	s3 =	sadd.s32 s3, s9;
	s6 =	sadd.s32 @!p0 $0x88, s6;
	s7 =	simm.s32 @p2 $0x1082  }
0x22: {  	[simem:s7], [sflag:s8] =	dma.local @!p0 [hbm:s6], $0xF7A  }
0x23: {  	s9 =	sor.u32 $0xD0000000, s2;
	s6 =	simm.s32 $0x108;
	_ =	swait.ge @!p0 [sflag:s8], $0x0  }
0x24: {  	s3 =	sadd.s32 $0x88, s3;
	s6 =	simm.s32 @!p1 $0x1082;
	[sflag:s4] =	ssyncset.s32 $0xFFFFF086  }
0x25: {  	[simem:s6], [sflag:s4] =	dma.local [hbm:s3], $0xF7A  }
0x26: {  	[smem:$0x3F9C] =	sst s1;
	(tag) =	ssettag s2;
	_ =	strace s9  }
0x27: {  	s1 =	sld [smem:$0x3FAC]  }
0x28: {  	s2 =	sld [smem:$0x3FAD]  }
0x29: {  	s4 =	sld [smem:$0x3FAF]  }
0x2a: {  	p0 =	seq.s32 s5, $0x0;
	s5 =	sld [smem:$0x3FB0]  }
0x2b: {  	s6 =	sld [smem:$0x3FB1]  }
0x2c: {  	s7 =	sld [smem:$0x3FB2]  }
0x2d: {  	s3 =	simm.s32 $0x108;
	s8 =	sld [smem:$0x3FB3]  }
0x2e: {  	s3 =	simm.s32 @!p0 $0x1082;
	s9 =	sld [smem:$0x3FB4]  }
0x2f: {  	lr =	sadd.s32 s0, s3;
	s0 =	sld [smem:$0x3FAB]  }
0x30: {  	s3 =	sld [smem:$0x3FAE]  }
0x31: {  	[smem:$0x3FB7] =	sst s10  }
0x32: {  	s10 =	sld [smem:$0x3FB5];
	_ =	sdelay $0x3  }
0x33: {  	p0 =	seq.s32 s10, $0x1;
	s10 =	sld [smem:$0x3FB7];
	_ =	sdelay $0x3  }
0x34: {  	[smem:$0x3FB7] =	sst s10  }
0x35: {  	s10 =	sld [smem:$0x3FB6];
	_ =	sdelay $0x3  }
0x36: {  	p1 =	seq.s32 s10, $0x1;
	s10 =	sld [smem:$0x3FB7];
	_ =	sdelay $0x3  }
0x37: {  	[smem:$0x3FB7] =	sst s10  }
0x38: {  	s10 =	sld [smem:$0x3FB8]  }
0x39: {  	_ = 	snop;
	(pc) =	sbr.ind lr, $3  }
0x3a: {  	_ = 	snop  }
0x3b: {  	_ = 	snop  }
0x3c: {  	p2 =	seq.s32 s10, $0x1;
	s10 =	sld [smem:$0x3FB7]  }
0x3d: {  	_ =	shalt  }
0x3e: {  	_ =	shalt  }
0x3f: {  	_ =	shalt  }
0x40: {  	_ =	shalt  }
0x41: {  	_ =	shalt  }
0x42: {  	_ =	shalt  }
0x43: {  	_ =	shalt  }
0x44: {  	_ =	shalt  }
0x45: {  	_ =	shalt  }
0x46: {  	_ =	shalt  }
0x47: {  	_ =	shalt  }
0x48: {  	_ =	shalt  }
0x49: {  	_ =	shalt  }
0x4a: {  	_ =	shalt  }
0x4b: {  	_ =	shalt  }
0x4c: {  	_ =	shalt  }
0x4d: {  	_ =	shalt  }
0x4e: {  	_ =	shalt  }
0x4f: {  	_ =	shalt  }
0x50: {  	_ =	shalt  }
0x51: {  	_ =	shalt  }
0x52: {  	_ =	shalt  }
0x53: {  	_ =	shalt  }
0x54: {  	_ =	shalt  }
0x55: {  	_ =	shalt  }
0x56: {  	_ =	shalt  }
0x57: {  	_ =	shalt  }
0x58: {  	_ =	shalt  }
0x59: {  	_ =	shalt  }
0x5a: {  	_ =	shalt  }
0x5b: {  	_ =	shalt  }
0x5c: {  	_ =	shalt  }
0x5d: {  	_ =	shalt  }
0x5e: {  	_ =	shalt  }
0x5f: {  	_ =	shalt  }
0x60: {  	_ =	shalt  }
0x61: {  	_ =	shalt  }
0x62: {  	_ =	shalt  }
0x63: {  	_ =	shalt  }
0x64: {  	_ =	shalt  }
0x65: {  	_ =	shalt  }
0x66: {  	_ =	shalt  }
0x67: {  	_ =	shalt  }
0x68: {  	_ =	shalt  }
0x69: {  	_ =	shalt  }
0x6a: {  	_ =	shalt  }
0x6b: {  	_ =	shalt  }
0x6c: {  	_ =	shalt  }
0x6d: {  	_ =	shalt  }
0x6e: {  	_ =	shalt  }
0x6f: {  	_ =	shalt  }
0x70: {  	_ =	shalt  }
0x71: {  	_ =	shalt  }
0x72: {  	_ =	shalt  }
0x73: {  	_ =	shalt  }
0x74: {  	_ =	shalt  }
0x75: {  	_ =	shalt  }
0x76: {  	_ =	shalt  }
0x77: {  	_ =	shalt  }
0x78: {  	_ =	shalt  }
0x79: {  	_ =	shalt  }
0x7a: {  	_ =	shalt  }
0x7b: {  	_ =	shalt  }
0x7c: {  	_ =	shalt  }
0x7d: {  	_ =	shalt  }
0x7e: {  	_ =	shalt  }
0x7f: {  	_ =	shalt  }
0x80: {  	_ =	shalt  }
0x81: {  	_ =	shalt  }
0x82: {  	_ =	shalt  }
0x83: {  	_ =	shalt  }
0x84: {  	_ =	shalt  }
0x85: {  	_ =	shalt  }
0x86: {  	_ =	shalt  }
0x87: {  	_ =	shalt  }
.Lfunc_end0:
.L_simem_size_0:
called_computation_lowered:
.L_overlay_start_0:
0x88: {  	s2 =	sld [smem:$0x3FD9]  }
0x89: {  	s3 =	sld [smem:$0x3FFE];
	_ =	sdelay $0x1  }
0x8a: {  	s1 =	srdreg.scid  }
0x8b: {  	s0 =	sand.u32 $0x1, s1  }
0x8c: {  	s18 =	sshll.u32 s0, $0xA;
	s2 =	sadd.s32 s3, s2  }
0x8d: {  	s2 =	sadd.s32 s2, s18  }
0x8e: {  	[smem:$0x3FC3] =	sst s2  }
0x8f: {  	_ = 	snop  }
0x90: {  	s2 =	sld [smem:$0x3FC8]  }
0x91: {  	s19 =	sld [smem:$0x3FC7]  }
0x92: {  	s4 =	sld [smem:$0x3FC6]  }
0x93: {  	s5 =	sld [smem:$0x3FC5]  }
0x94: {  	s6 =	sld [smem:$0x3FD0];
	(tm) =	ssettm $0x1  }
0x95: {  	s7 =	sld [smem:$0x3FFB];
	_ =	sdelay $0x3  }
0x96: {  	_ =	strace s7  }
0x97: {  	s7 =	sld [smem:$0x3FFC];
	_ =	sdelay $0x3  }
0x98: {  	_ =	strace s7  }
0x99: {  	s7 =	sld [smem:$0x3FFD];
	_ =	sdelay $0x3  }
0x9a: {  	_ =	strace s7  }
0x9b: {  	_ =	strace $0x8FFFFFFF  }
0x9c: {  	s20 =	sld [smem:$0x3FDB];
	_ =	sdelay $0x1  }
0x9d: {  	s8 =	simm.s32 $_scs_section_size  }
0x9e: {  	s9 =	simm.s32 $_size__tile_overlayer_lowered;
	s10 =	simm.s32 $_tile_overlayer_lowered  }
0x9f: {  	s23 =	simm.s32 $0x1BFF;
	s22 =	sshll.u32 s10, $0x1;
	s7 =	sadd.s32 s8, s20  }
0xa0: {  	s11 =	simm.s32 $0x0;
	s21 =	sshll.u32 s9, $0x1;
	s9 =	sadd.s32 s22, s7  }
0xa1: {  	[timem:s11], [sflag:s23] =	dma.local [hbm:s9], s21  }
0xa2: {  	_ =	swait.ge [sflag:s23], s21  }
0xa3: {  	s8 =	ssub.s32 $0x0, s21;
	[sflag:s23] =	ssyncset.done $0x0  }
0xa4: {  	[sflag:s23] =	ssyncadd.s32 s8;
	_ =	sdelay $0x1  }
0xa5: {  	s24 =	simm.s32 $0x1B8B  }
0xa6: {  	_ =	swait.ge [sflag:s24], $0x1  }
0xa7: {  	[sflag:s24] =	ssyncset.done $0x0  }
0xa8: {  	s25 =	simm.s32 $0x1B8E;
	[sflag:s24] =	ssyncadd.s32 $0xFFFFFFFF  }
0xa9: {  	s26 =	simm.s32 $execute0_lowered;
	[smem:$0x3FD2] =	sst s25  }
0xaa: {  	s8 =	sshll.u32 s26, $0x1;
	_ =	strace $0x80000046;
	[dreg:$0x1] =	wrdreg $0xFFFFFFFF  }
0xab: {  	s28 =	simm.s32 $_size_execute0_lowered;
	s7 =	sadd.s32 s7, s8;
	[dreg:$0x0] =	wrdreg $0x0  }
0xac: {  	s8 =	sshll.u32 s28, $0x1;
	[dreg:$0x2] =	wrdreg s7  }
0xad: {  	[dreg:$0x3] =	wrdreg s8  }
0xae: {  	[dreg:$0x4] =	wrdreg $0xC0  }
0xaf: {  	_ =	task [dreg:s11], $0x5FFFF  }
0xb0: {  	[dreg:$0x1] =	wrdreg $0xFFFFFFFF  }
0xb1: {  	[dreg:$0x0] =	wrdreg $0x60  }
0xb2: {  	[dreg:$0x2] =	wrdreg s6  }
0xb3: {  	[dreg:$0x3] =	wrdreg s19  }
0xb4: {  	[dreg:$0x4] =	wrdreg s4  }
0xb5: {  	[dreg:$0x5] =	wrdreg s2  }
0xb6: {  	[dreg:$0x6] =	wrdreg s5  }
0xb7: {  	[dreg:$0x7] =	wrdreg $0x9  }
0xb8: {  	_ =	task.clear_ibuf [dreg:s11], $0x8FFFF;
	_ =	strace $0x90000046  }
0xb9: {  	s29 =	simm.s32 $0x9;
	_ =	strace $0x80000048  }
0xba: {  	_ =	swait.ge [sflag:s29], $0x1  }
0xbb: {  	[sflag:s29] =	ssyncadd.s32 $0xFFFFFFFF  }
0xbc: {  	_ =	strace $0x90000048  }
0xbd: {  	_ =	sfence  }
0xbe: {  	s30 =	sld [smem:$0x0];
	_ =	sdelay $0x2  }
0xbf: {  	s31 =	sshll.u32 s1, $0xD;
	s1 =	sshrl.u32 s1, $0x2  }
0xc0: {  	s3 =	sand.u32 $0x4000, s31;
	s1 =	sadd.s32 s1, s30  }
0xc1: {  	s0 =	sor.u32 s3, s0;
	s1 =	sshll.u32 s1, $0x11  }
0xc2: {  	s0 =	sor.u32 s1, s0  }
0xc3: {  	s0 =	sadd.s32 $0x8F2B, s0  }
0xc4: {  	[sflag:s0] =	ssyncadd.remote.s32 $0x1  }
0xc5: {  	_ =	sfence.sel $0xFFFF  }
0xc6: {  	[dreg:$0x0] =	wrdreg $0xFFFFFFFF;
	(pc) =	sbr.abs _section_cstart, $3  }
0xc7: {  	[dreg:$0x1] =	wrdreg $0xFFFFFFFF  }
0xc8: {  	_ =	task.clear_ibuf [dreg:s11], $0x2FFFF;
	_ =	strace $0x9FFFFFFF  }
0xc9: {  	(tm) =	ssettm $0x7FFFFFFF  }
tec
execute0_lowered:
.L_overlay_start_1:
0x0: {  	(tag) =	ssettag $0x1  }
0x1: {  	s1 =	rddreg [dreg:$0x0]  }
0x2: {  	s2 =	rddreg [dreg:$0x1]  }
0x3: {  	s3 =	rddreg [dreg:$0x2]  }
0x4: {  	s4 =	rddreg [dreg:$0x3]  }
0x5: {  	s5 =	rddreg [dreg:$0x4];
	s6 =	simm.s32 $0x0  }
0x6: {  	[smem:$0x7FF] =	sst s6  }
0x7: {  	s0 =	rddreg [dreg:$0x5];
	_ =	strace $0x80000047  }
0x8: {  	[tilespmem:s6], [sflag:$0x1] =	stream.linear.gather [hbm4b:s2+s6], $0x80, $0x38;
	[tilespmem:$0x600] =	vst v63  }
0x9: {  	s7 =	simm.s32 $0x80  }
0xa: {  	[tilespmem:s7], [sflag:$0x1] =	stream.linear.gather [hbm4b:s3+s6], $0x80, $0x38;
	[tilespmem:$0x600] =	vst v63  }
0xb: {  	s9 =	simm.s32 $0x100  }
0xc: {  	[tilespmem:s9], [sflag:$0x1] =	stream.linear.gather [hbm4b:s4+s6], $0x80, $0x38;
	[tilespmem:$0x600] =	vst v63  }
0xd: {  	s10 =	simm.s32 $0x180;
	s8 =	simm.s32 $0x1  }
0xe: {  	[tilespmem:s10], [sflag:$0x1] =	stream.linear.gather [hbm4b:s5+s6], $0x80, $0x38;
	[tilespmem:$0x600] =	vst v63  }
0xf: {  	_ =	swait.ge [sflag:s8], $0x80  }
0x10: {  	[sflag:s8] =	ssyncset.done $0x0  }
0x11: {  	[sflag:s8] =	ssyncadd.s32 $0xFFFFFF80  }
0x12: {  	_ =	swait.ge [sflag:s8], $0x80  }
0x13: {  	[sflag:s8] =	ssyncset.done $0x0  }
0x14: {  	[sflag:s8] =	ssyncadd.s32 $0xFFFFFF80  }
0x15: {  	_ =	swait.ge [sflag:s8], $0x80  }
0x16: {  	[sflag:s8] =	ssyncset.done $0x0  }
0x17: {  	[sflag:s8] =	ssyncadd.s32 $0xFFFFFF80  }
0x18: {  	_ =	swait.ge [sflag:s8], $0x80  }
0x19: {  	[sflag:s8] =	ssyncset.done $0x0  }
0x1a: {  	[sflag:s8] =	ssyncadd.s32 $0xFFFFFF80  }
0x1b: {  	s12 =	srdreg.scid;
	s11 =	stileid.u32;
	v1 =	vld [tilespmem:$0x80]  }
0x1c: {  	s14 =	sand.u32 $0x1, s12;
	s25 =	sshll.u32 s11, $0x1;
	v2 =	vld [tilespmem:$0x0]  }
0x1d: {  	s12 =	sor.u32 s14, s25;
	v3 =	vld [tilespmem:$0x10]  }
0x1e: {  	v0 =	vlaneseq.u32;
	v4 =	vmov s12;
	v5 =	vld [tilespmem:$0x90]  }
0x1f: {  	vm0 =	veq.s32 v4, v0  }
0x20: {  	v6 =	vor.u32 $0x10, v0;
	v1 =	vnsel vm0, $0x0, v1  }
0x21: {  	vm1 =	veq.s32 v4, v6;
	v2 =	vnsel vm0, $0x0, v2;
	(xrf0) =	vadd.scan.msk.s32 $0xffff, v1  }
0x22: {  	v1 =	vnsel vm1, $0x0, v3;
	(xrf0) =	vadd.scan.msk.s32 $0xffff, v2  }
0x23: {  	v2 =	vnsel vm1, $0x0, v5;
	(xrf0) =	vadd.scan.msk.s32 $0xffff, v1  }
0x24: {  	(xrf0) =	vadd.scan.msk.s32 $0xffff, v2;
	_ =	sdelay $0x2  }
0x25: {  	v1, _, _ =	vpop (xrf0)  }
0x26: {  	v2, _, _ =	vpop (xrf0);
	(v2sf) =	vpush v1, $0xF  }
0x27: {  	(v2sf) =	vpush v2, $0xF;
	v1, _, _ =	vpop (xrf0)  }
0x28: {  	(v2sf) =	vpush v1, $0xF;
	v1, _, _ =	vpop (xrf0)  }
0x29: {  	(v2sf) =	vpush v1, $0xF;
	_ =	sdelay $0xb  }
0x2a: {  	s13 =	spop (v2sf)  }
0x2b: {  	s15 =	spop (v2sf)  }
0x2c: {  	s16 =	spop (v2sf)  }
0x2d: {  	s16 =	sadd.s32 s15, s16;
	s26 =	spop (v2sf)  }
0x2e: {  	s17 =	sshll.u32 s16, $0xB;
	s18 =	sadd.s32 s13, s26  }
0x2f: {  	s12 =	sshll.u32 s12, $0x15;
	s28 =	sand.u32 $0xFFFFC000, s17;
	s15 =	sshll.u32 s18, $0x3  }
0x30: {  	s13 =	sadd.s32 s12, s28;
	s15 =	sand.u32 $0x7FFFFC00, s15  }
0x31: {  	s13 =	sadd.s32 s15, s13  }
0x32: {  	s15 =	sshrl.u32 s13, $0x3  }
0x33: {  	v2 =	vld.msk [tilespmem:s10+$0x0], $0xffff;
	s13 =	simm.s32 $0x200;
	s15 =	sadd.s32 s1, s15  }
0x34: {  	v1 =	vld.msk [tilespmem:s9+$0x0], $0xffff;
	[tilespmem:s13], [sflag:$0x1] =	stream.linear.gather [hbm4b:s15+s6], $0x400, $0x38  }
0x35: {  	s14 =	ssub.s32 $0x2, s14;
	s16 =	sshll.u32 s16, $0x7;
	_ =	swait.ge [sflag:s8], $0x400  }
0x36: {  	s29 =	sand.u32 $0x70, s18;
	s16 =	sand.u32 $0x380, s16;
	[sflag:s8] =	ssyncset.done $0x0  }
0x37: {  	s31 =	sshrl.u32 s14, $0x1;
	s16 =	sor.u32 s29, s16;
	[sflag:s8] =	ssyncadd.s32 $0xFFFFFC00  }
0x38: {  	s14 =	ssub.s32 s14, s31;
	v3 =	vld [tilespmem:s16+$0x200]  }
0x39: {  	s14 =	smax.u32 s14, $0x1;
	s30 =	sand.u32 $0xF, s18  }
0x3a: {  	p0 =	sne.s32 s14, $0x1;
	v1 =	vmul.f32 v2, v1;
	v63 =	vmov s30  }
.Ltmp0:
0x3b: {  	vm2 =	veq.s32 v63, v0;
	(pc) =	sbr.rel @!p0 .LBB2_2-.Ltmp0, $3  }
0x3c: {  	v1 =	vnsel vm2, $0x0, v1  }
0x3d: {  	v1 =	vadd.f32 v1, v3;
	_ =	sdelay $0x1  }
0x3e: {  	s14 =	sadd.s32 $0xFFFFFFFF, s14;
	[tilespmem:s16+$0x200] =	vst v1  }
.LBB2_1:
0x3f: {  	[hbm4b:s15+s6] =	stream.linear.scatter [tilespmem:s13], [sflag:$0x1], $0x400, $0x38;
	[tilespmem:$0x600] =	vst v63  }
0x40: {  	p0 =	sne.s32 s14, $0x1;
	s14 =	sadd.s32 $0xFFFFFFFF, s14;
	_ =	swait.ge [sflag:s8], $0x400  }
0x41: {  	[sflag:s8] =	ssyncset.done $0x0  }
0x42: {  	[sflag:s8] =	ssyncadd.s32 $0xFFFFFC00  }
0x43: {  	[tilespmem:s6], [sflag:$0x1] =	stream.linear.gather [hbm4b:s2+s6], $0x80, $0x38;
	[tilespmem:$0x600] =	vst v63  }
0x44: {  	_ = 	snop  }
0x45: {  	[tilespmem:s7], [sflag:$0x1] =	stream.linear.gather [hbm4b:s3+s6], $0x80, $0x38;
	[tilespmem:$0x600] =	vst v63  }
0x46: {  	_ = 	snop  }
0x47: {  	[tilespmem:s9], [sflag:$0x1] =	stream.linear.gather [hbm4b:s4+s6], $0x80, $0x38;
	[tilespmem:$0x600] =	vst v63  }
0x48: {  	_ = 	snop  }
0x49: {  	[tilespmem:s10], [sflag:$0x1] =	stream.linear.gather [hbm4b:s5+s6], $0x80, $0x38;
	[tilespmem:$0x600] =	vst v63  }
0x4a: {  	_ =	swait.ge [sflag:s8], $0x80  }
0x4b: {  	[sflag:s8] =	ssyncset.done $0x0  }
0x4c: {  	[sflag:s8] =	ssyncadd.s32 $0xFFFFFF80  }
0x4d: {  	_ =	swait.ge [sflag:s8], $0x80  }
0x4e: {  	[sflag:s8] =	ssyncset.done $0x0  }
0x4f: {  	[sflag:s8] =	ssyncadd.s32 $0xFFFFFF80  }
0x50: {  	_ =	swait.ge [sflag:s8], $0x80  }
0x51: {  	[sflag:s8] =	ssyncset.done $0x0  }
0x52: {  	[sflag:s8] =	ssyncadd.s32 $0xFFFFFF80  }
0x53: {  	_ =	swait.ge [sflag:s8], $0x80  }
0x54: {  	[sflag:s8] =	ssyncset.done $0x0  }
0x55: {  	[sflag:s8] =	ssyncadd.s32 $0xFFFFFF80  }
0x56: {  	v1 =	vld [tilespmem:$0x80]  }
0x57: {  	v2 =	vld [tilespmem:$0x0]  }
0x58: {  	v3 =	vld [tilespmem:$0x10]  }
0x59: {  	v4 =	vld [tilespmem:$0x90]  }
0x5a: {  	v5 =	vld.msk [tilespmem:s9+$0x0], $0xffff  }
0x5b: {  	v1 =	vnsel vm0, $0x0, v1  }
0x5c: {  	v2 =	vnsel vm0, $0x0, v2;
	(xrf0) =	vadd.scan.msk.s32 $0xffff, v1  }
0x5d: {  	v1 =	vnsel vm1, $0x0, v3;
	(xrf0) =	vadd.scan.msk.s32 $0xffff, v2  }
0x5e: {  	v2 =	vnsel vm1, $0x0, v4;
	(xrf0) =	vadd.scan.msk.s32 $0xffff, v1  }
0x5f: {  	(xrf0) =	vadd.scan.msk.s32 $0xffff, v2;
	_ =	sdelay $0x2  }
0x60: {  	v1, _, _ =	vpop (xrf0)  }
0x61: {  	v2, _, _ =	vpop (xrf0);
	(v2sf) =	vpush v1, $0xF  }
0x62: {  	(v2sf) =	vpush v2, $0xF;
	v1, _, _ =	vpop (xrf0)  }
0x63: {  	(v2sf) =	vpush v1, $0xF;
	v1, _, _ =	vpop (xrf0)  }
0x64: {  	(v2sf) =	vpush v1, $0xF;
	_ =	sdelay $0xb  }
0x65: {  	s15 =	spop (v2sf)  }
0x66: {  	s16 =	spop (v2sf)  }
0x67: {  	s17 =	spop (v2sf)  }
0x68: {  	s16 =	sadd.s32 s16, s17;
	s17 =	spop (v2sf)  }
0x69: {  	s18 =	sshll.u32 s16, $0xB;
	s15 =	sadd.s32 s15, s17;
	s16 =	sshll.u32 s16, $0x7  }
0x6a: {  	s17 =	sand.u32 $0xFFFFC000, s18;
	s18 =	sshll.u32 s15, $0x3;
	s19 =	sand.u32 $0x70, s15  }
0x6b: {  	s16 =	sand.u32 $0x380, s16;
	s17 =	sadd.s32 s12, s17;
	s18 =	sand.u32 $0x7FFFFC00, s18  }
0x6c: {  	s15 =	sand.u32 $0xF, s15;
	s17 =	sadd.s32 s18, s17  }
0x6d: {  	v1 =	vmov s15;
	s17 =	sshrl.u32 s17, $0x3  }
0x6e: {  	vm2 =	veq.s32 v1, v0;
	v2 =	vld.msk [tilespmem:s10+$0x0], $0xffff;
	s15 =	sadd.s32 s1, s17  }
0x6f: {  	[tilespmem:s13], [sflag:$0x1] =	stream.linear.gather [hbm4b:s15+s6], $0x400, $0x38;
	[tilespmem:$0x600] =	vst v63  }
0x70: {  	_ =	swait.ge [sflag:s8], $0x400  }
0x71: {  	[sflag:s8] =	ssyncset.done $0x0  }
0x72: {  	s16 =	sor.u32 s19, s16;
	[sflag:s8] =	ssyncadd.s32 $0xFFFFFC00  }
0x73: {  	v1 =	vld [tilespmem:s16+$0x200];
	_ =	sdelay $0x1  }
0x74: {  	v2 =	vmul.f32 v2, v5  }
.Ltmp1:
0x75: {  	(pc) =	sbr.rel @p0 .LBB2_1-.Ltmp1, $3  }
0x76: {  	v2 =	vnsel vm2, $0x0, v2  }
0x77: {  	v1 =	vadd.f32 v2, v1;
	_ =	sdelay $0x1  }
0x78: {  	[tilespmem:s16+$0x200] =	vst v1  }
.LBB2_2:
0x79: {  	[hbm4b:s15+s6] =	stream.linear.scatter [tilespmem:s13], [sflag:$0x1], $0x400, $0x38;
	[tilespmem:$0x600] =	vst v63  }
0x7a: {  	_ =	swait.ge [sflag:s8], $0x400  }
0x7b: {  	[sflag:s8] =	ssyncset.done $0x0  }
0x7c: {  	[sflag:s8] =	ssyncadd.s32 $0xFFFFFC00  }
0x7d: {  	_ =	sfence.sel $0x180000  }
0x7e: {  	[bflag:$0x0] =	sbarrier.arrive $0xFFFF  }
0x7f: {  	p0 =	sne.s32 s11, $0x0;
	_ =	strace $0x90000047  }
0x80: {  	s0 =	sadd.s32 @!p0 $0x100000, s0;
	[bflag:$0x2] =	sbarrier.arrive $0xFFFF  }
0x81: {  	[sflag:s0] =	ssyncadd.tile.s32 @!p0 $0x1;
	_ =	shalt  }
.Lfunc_end2:
_tile_overlayer_lowered:
.L_overlay_start_2:
0x82: {  	(tag) =	ssettag $0x2  }
0x83: {  	s0 =	rddreg [dreg:$0x0];
	s2 =	stileid.u32  }
0x84: {  	s1 =	rddreg [dreg:$0x1];
	p0 =	sne.s32 s2, $0x0  }
0x85: {  	s3 =	rddreg [dreg:$0x2];
	[bflag:$0x3] =	sbarrier.arrive $0xFFFF;
	s2 =	simm.s32 @!p0 $0x1C02  }
0x86: {  	[timem:s3], [sflag:s2] =	dma.local @!p0 [hbm:s0], s1  }
0x87: {  	s0 =	simm.s32 @!p0 $0x2  }
0x88: {  	_ =	swait.ge @!p0 [sflag:s0], s1  }
0x89: {  	s1 =	ssub.s32 @!p0 $0x0, s1;
	[sflag:s0] =	ssyncset.done @!p0 $0x0  }
0x8a: {  	[sflag:s0] =	ssyncadd.s32 @!p0 s1  }
0x8b: {  	[bflag:$0x3] =	sbarrier.arrive $0xFFFF  }
0x8c: {  	_ =	shalt  }

</sc_bundles>
